<compile_context>
chip_gen: v7x
topology: tpu7x:2x2x1
jax: 0.10.2.dev20260603
libtpu: 0.0.44.dev20260713+nightly
codegen_flags: <defaults>
</compile_context>

<pallas_src>
import functools

import jax
import jax.numpy as jnp
from jax import lax
from jax.experimental import pallas as pl
from jax.experimental.pallas import tpu as pltpu
from jax.experimental.pallas import tpu_sc as plsc

N = 65536
D = 32
K = 8192
TILE = 1024
GRID = N // TILE
BETA = 0.25

_NC = 2
_NS = 16
NW = _NC * _NS
BPW = N // NW
L = 16


def _argmin_body(z_ref, e_ref, idx_ref, vq_ref, com_ref, perp_ref,
                 dsum_ref, cnt_ref):
    i = pl.program_id(0)
    z = z_ref[...]
    e = e_ref[...]
    z2 = jnp.sum(z * z, axis=1, keepdims=True)
    e2 = jnp.sum(e * e, axis=0, keepdims=True)
    c2 = lax.dot_general(z, e * (-2.0), (((1,), (0,)), ((), ())),
                         preferred_element_type=jnp.float32)
    s = (z2 + e2) + c2
    H = K // 2
    sl = s[:, :H]
    sr = s[:, H:]
    mvl = jnp.min(sl, axis=1, keepdims=True)
    mvr = jnp.min(sr, axis=1, keepdims=True)
    iota_f = lax.broadcasted_iota(jnp.int32, sl.shape, 1).astype(jnp.float32)
    il = jnp.min(jnp.where(sl == mvl, iota_f, float(H)), axis=1)
    ir = jnp.min(jnp.where(sr == mvr, iota_f, float(H)), axis=1) + float(H)
    mvl_bf = mvl.astype(jnp.bfloat16).astype(jnp.float32)
    take_r = mvr < mvl_bf
    idx = jnp.where(take_r[:, 0], ir, il).astype(jnp.int32)
    mv = jnp.where(take_r, mvr, mvl)
    idx_ref[0, 0, :] = idx
    part = jnp.sum(mv)
    hi = idx[:, None] // 128
    lo = idx[:, None] % 128
    oh_hi = (lax.broadcasted_iota(jnp.int32, (TILE, K // 128), 1)
             == hi).astype(jnp.float32)
    oh_lo = (lax.broadcasted_iota(jnp.int32, (TILE, 128), 1)
             == lo).astype(jnp.float32)
    cnt_part = lax.dot_general(oh_hi, oh_lo, (((0,), (0,)), ((), ())),
                               preferred_element_type=jnp.float32)

    @pl.when(i == 0)
    def _():
        dsum_ref[...] = jnp.zeros_like(dsum_ref)
        cnt_ref[...] = jnp.zeros_like(cnt_ref)

    dsum_ref[...] = dsum_ref[...] + part
    cnt_ref[...] = cnt_ref[...] + cnt_part

    @pl.when(i == GRID - 1)
    def _():
        p = cnt_ref[...] * (1.0 / N)
        ent = p * jnp.log(p + 1e-10)
        perp_ref[0, 0] = jnp.exp(-jnp.sum(ent))
        vq = dsum_ref[0, 0] * (1.0 / (N * D))
        vq_ref[0, 0] = vq
        com_ref[0, 0] = BETA * vq


_argmin_call = pl.pallas_call(
    _argmin_body,
    grid=(GRID,),
    in_specs=[
        pl.BlockSpec((TILE, D), lambda i: (i, 0)),
        pl.BlockSpec((D, K), lambda i: (0, 0)),
    ],
    out_specs=[
        pl.BlockSpec((1, 1, TILE), lambda i: (i, 0, 0)),
        pl.BlockSpec(memory_space=pltpu.SMEM),
        pl.BlockSpec(memory_space=pltpu.SMEM),
        pl.BlockSpec(memory_space=pltpu.SMEM),
    ],
    out_shape=[
        jax.ShapeDtypeStruct((GRID, 1, TILE), jnp.int32),
        jax.ShapeDtypeStruct((1, 1), jnp.float32),
        jax.ShapeDtypeStruct((1, 1), jnp.float32),
        jax.ShapeDtypeStruct((1, 1), jnp.float32),
    ],
    scratch_shapes=[
        pltpu.VMEM((1, 128), jnp.float32),
        pltpu.VMEM((K // 128, 128), jnp.float32),
    ],
)


@functools.cache
def _gather_call():

    @functools.partial(
        pl.kernel,
        out_type=jax.ShapeDtypeStruct((N, D), jnp.float32),
        mesh=plsc.VectorSubcoreMesh(core_axis_name="c", subcore_axis_name="s",
                                    num_cores=_NC, num_subcores=_NS),
        scratch_types=[
            pltpu.VMEM((BPW,), jnp.int32),
            pltpu.VMEM((BPW, D), jnp.float32),
            pltpu.SemaphoreType.DMA,
        ],
        compiler_params=pltpu.CompilerParams(use_tc_tiling_on_sc=False),
    )
    def _gather(idx_hbm, table_hbm, q_hbm, idx_v, rows_v, sem):
        wid = lax.axis_index("s") * _NC + lax.axis_index("c")
        base = wid * BPW
        pltpu.sync_copy(idx_hbm.at[pl.ds(base, BPW)], idx_v)
        pltpu.async_copy(table_hbm.at[idx_v], rows_v, sem).wait()
        pltpu.sync_copy(rows_v, q_hbm.at[pl.ds(base, BPW)])

    return _gather


def kernel(z, embeddings):
    z_flat = z.reshape(N, D)
    idx3, vq, com, perp = _argmin_call(z_flat, embeddings)
    idx = idx3.reshape(N)
    table = embeddings.T
    q = _gather_call()(idx, table)
    quantized_st = q.reshape(z.shape)
    return (quantized_st, idx, vq.reshape(()), com.reshape(()),
            perp.reshape(()))

# --- scband reference (transcript-rebuilt; emitter-appended) ---
"""Pipeline reference for scband-vector-quantizer-30872224923700 (READ-ONLY COPY).

The authoritative reference and input builder live on the scoring server;
editing this copy changes nothing except your own understanding.
"""

import jax, jax.numpy as jnp
import numpy as np

NUM_EMB = 8192
EMB_DIM = 32
BETA = 0.25


def setup_inputs(seed: int = 0) -> dict:
    key = jax.random.key(seed)
    k1, k2 = jax.random.split(key)
    z = jax.random.normal(k1, (64, 1024, EMB_DIM), dtype=jnp.float32)
    embeddings = jax.random.uniform(
        k2, (EMB_DIM, NUM_EMB), dtype=jnp.float32,
        minval=-1.0 / NUM_EMB, maxval=1.0 / NUM_EMB)
    return {"z": z, "embeddings": embeddings}


def reference(z, embeddings):
    z_flatten = z.reshape(-1, EMB_DIM)
    distances = (
        jnp.sum(z_flatten ** 2, axis=1, keepdims=True)
        + jnp.sum(embeddings ** 2, axis=0)
        - 2.0 * (z_flatten @ embeddings)
    )
    encoding_indices = jnp.argmin(distances, axis=1)
    w = jnp.transpose(embeddings, (1, 0))
    quantized = jnp.take(w, encoding_indices, axis=0).reshape(z.shape)
    vq_loss = jnp.mean((quantized - jax.lax.stop_gradient(z)) ** 2)
    commitment_loss = BETA * jnp.mean((jax.lax.stop_gradient(quantized) - z) ** 2)
    quantized_st = z + jax.lax.stop_gradient(quantized - z)
    encodings = jax.nn.one_hot(encoding_indices, NUM_EMB, dtype=distances.dtype)
    avg_probs = jnp.mean(encodings, axis=0)
    perplexity = jnp.exp(-jnp.sum(avg_probs * jnp.log(avg_probs + 1e-10)))
    return (quantized_st, encoding_indices, vq_loss, commitment_loss, perplexity)

if __name__ == "__main__":
    import jax
    _d = setup_inputs()
    print(jax.jit(kernel)(*tuple(_d.values())))

</pallas_src>

<mosaic_0001>
#map = affine_map<(d0, d1) -> (0)>
#map1 = affine_map<(d0, d1) -> (0, 0)>
module attributes {stable_mosaic.version = 14 : i64} {
  func.func @_gather(%arg0: i32, %arg1: i32, %arg2: memref<65536xi32, #tpu.memory_space<hbm>>, %arg3: memref<8192x32xf32, #tpu.memory_space<hbm>>, %arg4: memref<65536x32xf32, #tpu.memory_space<hbm>>, %arg5: memref<2048xi32, #tpu.memory_space<vmem>>, %arg6: memref<2048x32xf32, #tpu.memory_space<vmem>>, %arg7: memref<!tpu.dma_semaphore, #tpu.memory_space<semaphore_mem>>) attributes {dimension_semantics = [#tpu.dimension_semantics<core_parallel>, #tpu.dimension_semantics<subcore_parallel>], iteration_bounds = array<i64: 2, 16>, scalar_prefetch = 0 : i64, scratch_operands = 3 : i64, tpu.core_type = #tpu.core_type<sc_vector_subcore>, window_params = [{transform_indices = #map}, {transform_indices = #map1}, {transform_indices = #map1}]} {
    %mul3A = arith.constant 2 : i32
    %mul3A_0 = arith.muli %arg1, %mul3A : i32
    %add3A = arith.addi %mul3A_0, %arg0 : i32
    %mul3A_1 = arith.constant 2048 : i32
    %mul3A_2 = arith.muli %add3A, %mul3A_1 : i32
    "tpu.region"() ({
      %run_scoped3A = tpu.sem_alloc : memref<!tpu.dma_semaphore, #tpu.memory_space<semaphore_mem>>
      %dma_start3A_7 = tpu.memref_slice %arg2[%mul3A_2] : memref<65536xi32, #tpu.memory_space<hbm>> -> memref<2048xi32, #tpu.memory_space<hbm>>
      %dma_start3A_8 = tpu.memref_slice %arg2[%mul3A_2] : memref<65536xi32, #tpu.memory_space<hbm>> -> memref<2048xi32, #tpu.memory_space<hbm>>
      tpu.enqueue_dma source(%dma_start3A_8 : memref<2048xi32, #tpu.memory_space<hbm>>) target(%arg5 : memref<2048xi32, #tpu.memory_space<vmem>>) target_semaphore(%run_scoped3A : memref<!tpu.dma_semaphore, #tpu.memory_space<semaphore_mem>>)
      %dma_wait3A_9 = tpu.memref_slice %arg2[%mul3A_2] : memref<65536xi32, #tpu.memory_space<hbm>> -> memref<2048xi32, #tpu.memory_space<hbm>>
      %dma_wait3A_10 = tpu.memref_slice %arg2[%mul3A_2] : memref<65536xi32, #tpu.memory_space<hbm>> -> memref<2048xi32, #tpu.memory_space<hbm>>
      tpu.wait_dma2 semaphore(%run_scoped3A : memref<!tpu.dma_semaphore, #tpu.memory_space<semaphore_mem>>) src(%dma_wait3A_10 : memref<2048xi32, #tpu.memory_space<hbm>>) dst(%arg5 : memref<2048xi32, #tpu.memory_space<vmem>>)
      tpu.yield
    }) : () -> ()
    %dma_start3A = arith.constant 0 : i32
    %dma_start3A_3 = arith.constant 0 : i32
    %dma_start3A_4 = tpu.memref_slice %arg3[%dma_start3A, %dma_start3A_3] : memref<8192x32xf32, #tpu.memory_space<hbm>> -> memref<8192x32xf32, #tpu.memory_space<hbm>>
    tpu.enqueue_indirect_dma source(%dma_start3A_4 : memref<8192x32xf32, #tpu.memory_space<hbm>>) target(%arg6 : memref<2048x32xf32, #tpu.memory_space<vmem>>) offsets(%arg5 : memref<2048xi32, #tpu.memory_space<vmem>>) semaphore(%arg7 : memref<!tpu.dma_semaphore, #tpu.memory_space<semaphore_mem>>)
    %dma_wait3A = arith.constant 0 : i32
    %dma_wait3A_5 = arith.constant 0 : i32
    %dma_wait3A_6 = tpu.memref_slice %arg3[%dma_wait3A, %dma_wait3A_5] : memref<8192x32xf32, #tpu.memory_space<hbm>> -> memref<8192x32xf32, #tpu.memory_space<hbm>>
    tpu.wait_indirect_dma semaphore(%arg7 : memref<!tpu.dma_semaphore, #tpu.memory_space<semaphore_mem>>) src(%dma_wait3A_6 : memref<8192x32xf32, #tpu.memory_space<hbm>>) dst(%arg6 : memref<2048x32xf32, #tpu.memory_space<vmem>>)
    "tpu.region"() ({
      %run_scoped3A = tpu.sem_alloc : memref<!tpu.dma_semaphore, #tpu.memory_space<semaphore_mem>>
      %dma_start3A_7 = arith.constant 0 : i32
      %dma_start3A_8 = tpu.memref_slice %arg4[%mul3A_2, %dma_start3A_7] : memref<65536x32xf32, #tpu.memory_space<hbm>> -> memref<2048x32xf32, #tpu.memory_space<hbm>>
      %dma_start3A_9 = arith.constant 0 : i32
      %dma_start3A_10 = tpu.memref_slice %arg4[%mul3A_2, %dma_start3A_9] : memref<65536x32xf32, #tpu.memory_space<hbm>> -> memref<2048x32xf32, #tpu.memory_space<hbm>>
      tpu.enqueue_dma source(%arg6 : memref<2048x32xf32, #tpu.memory_space<vmem>>) target(%dma_start3A_10 : memref<2048x32xf32, #tpu.memory_space<hbm>>) target_semaphore(%run_scoped3A : memref<!tpu.dma_semaphore, #tpu.memory_space<semaphore_mem>>)
      %dma_wait3A_11 = arith.constant 0 : i32
      %dma_wait3A_12 = tpu.memref_slice %arg4[%mul3A_2, %dma_wait3A_11] : memref<65536x32xf32, #tpu.memory_space<hbm>> -> memref<2048x32xf32, #tpu.memory_space<hbm>>
      %dma_wait3A_13 = arith.constant 0 : i32
      %dma_wait3A_14 = tpu.memref_slice %arg4[%mul3A_2, %dma_wait3A_13] : memref<65536x32xf32, #tpu.memory_space<hbm>> -> memref<2048x32xf32, #tpu.memory_space<hbm>>
      tpu.wait_dma2 semaphore(%run_scoped3A : memref<!tpu.dma_semaphore, #tpu.memory_space<semaphore_mem>>) src(%arg6 : memref<2048x32xf32, #tpu.memory_space<vmem>>) dst(%dma_wait3A_14 : memref<2048x32xf32, #tpu.memory_space<hbm>>)
      tpu.yield
    }) : () -> ()
    return
  }
}

module attributes {stable_mosaic.version = 14 : i64} {
  func.func @_argmin_body(%arg0: i32, %arg1: memref<1024x32xf32, #tpu.memory_space<vmem>>, %arg2: memref<32x8192xf32, #tpu.memory_space<vmem>>, %arg3: memref<1x1x1024xi32, #tpu.memory_space<vmem>>, %arg4: memref<1x1xf32, #tpu.memory_space<smem>>, %arg5: memref<1x1xf32, #tpu.memory_space<smem>>, %arg6: memref<1x1xf32, #tpu.memory_space<smem>>, %arg7: memref<1x128xf32, #tpu.memory_space<vmem>>, %arg8: memref<64x128xf32, #tpu.memory_space<vmem>>) attributes {dimension_semantics = [#tpu.dimension_semantics<arbitrary>], iteration_bounds = array<i64: 64>, scalar_prefetch = 0 : i64, scratch_operands = 2 : i64, tpu.core_type = #tpu.core_type<tc>, window_params = [{transform_indices = @transform_0, window_bounds = array<i64: 1024, 32>}, {pipeline_mode = #tpu.pipeline_mode<synchronous>, transform_indices = @transform_1, window_bounds = array<i64: 32, 8192>}, {transform_indices = @transform_2, window_bounds = array<i64: 1, 1, 1024>}, {transform_indices = @transform_3, window_bounds = array<i64: 1, 1>}, {transform_indices = @transform_4, window_bounds = array<i64: 1, 1>}, {transform_indices = @transform_5, window_bounds = array<i64: 1, 1>}]} {
    %get3A = arith.constant 0 : index
    %get3A_0 = arith.constant 0 : index
    %get3A_1 = vector.load %arg1[%get3A, %get3A_0] : memref<1024x32xf32, #tpu.memory_space<vmem>>, vector<1024x32xf32>
    %get3A_2 = arith.constant 0 : index
    %get3A_3 = arith.constant 0 : index
    %get3A_4 = vector.load %arg2[%get3A_2, %get3A_3] : memref<32x8192xf32, #tpu.memory_space<vmem>>, vector<32x8192xf32>
    %mul3A = arith.mulf %get3A_1, %get3A_1 : vector<1024x32xf32>
    %reduce_sum3A = arith.constant dense<0.000000e+00> : vector<1024xf32>
    %reduce_sum3A_5 = vector.multi_reduction <add>, %mul3A, %reduce_sum3A [1] : vector<1024x32xf32> to vector<1024xf32>
    %broadcast_in_dim3A = vector.shape_cast %reduce_sum3A_5 : vector<1024xf32> to vector<1024x1xf32>
    %mul3A_6 = arith.mulf %get3A_4, %get3A_4 : vector<32x8192xf32>
    %reduce_sum3A_7 = arith.constant dense<0.000000e+00> : vector<8192xf32>
    %reduce_sum3A_8 = vector.multi_reduction <add>, %mul3A_6, %reduce_sum3A_7 [0] : vector<32x8192xf32> to vector<8192xf32>
    %broadcast_in_dim3A_9 = vector.shape_cast %reduce_sum3A_8 : vector<8192xf32> to vector<1x8192xf32>
    %mul3A_10 = arith.constant -2.000000e+00 : f32
    %mul3A_11 = vector.broadcast %mul3A_10 : f32 to vector<32x8192xf32>
    %mul3A_12 = arith.mulf %get3A_4, %mul3A_11 : vector<32x8192xf32>
    %dot_general3A = arith.constant dense<0.000000e+00> : vector<1024x8192xf32>
    %dot_general3A_13 = tpu.matmul %get3A_1, %mul3A_12, %dot_general3A {dimension_numbers = #tpu.dot_dimension_numbers<[1], [0], [0], [1], [0, 0, 1, 1], [], []>, transpose_lhs_hint = false} : vector<1024x32xf32>, vector<32x8192xf32>, vector<1024x8192xf32> -> vector<1024x8192xf32>
    %add3A = vector.broadcast %broadcast_in_dim3A : vector<1024x1xf32> to vector<1024x8192xf32>
    %add3A_14 = vector.broadcast %broadcast_in_dim3A_9 : vector<1x8192xf32> to vector<1024x8192xf32>
    %add3A_15 = arith.addf %add3A, %add3A_14 : vector<1024x8192xf32>
    %add3A_16 = arith.addf %add3A_15, %dot_general3A_13 : vector<1024x8192xf32>
    %slice3A = vector.extract_strided_slice %add3A_16 {offsets = [0, 0], sizes = [1024, 4096], strides = [1, 1]} : vector<1024x8192xf32> to vector<1024x4096xf32>
    %slice3A_17 = vector.extract_strided_slice %add3A_16 {offsets = [0, 4096], sizes = [1024, 4096], strides = [1, 1]} : vector<1024x8192xf32> to vector<1024x4096xf32>
    %reduce_min3A = arith.constant dense<0x7F800000> : vector<1024xf32>
    %reduce_min3A_18 = vector.multi_reduction <minimumf>, %slice3A, %reduce_min3A [1] : vector<1024x4096xf32> to vector<1024xf32>
    %broadcast_in_dim3A_19 = vector.shape_cast %reduce_min3A_18 : vector<1024xf32> to vector<1024x1xf32>
    %reduce_min3A_20 = arith.constant dense<0x7F800000> : vector<1024xf32>
    %reduce_min3A_21 = vector.multi_reduction <minimumf>, %slice3A_17, %reduce_min3A_20 [1] : vector<1024x4096xf32> to vector<1024xf32>
    %broadcast_in_dim3A_22 = vector.shape_cast %reduce_min3A_21 : vector<1024xf32> to vector<1024x1xf32>
    %iota3A = tpu.iota {dimensions = array<i32: 1>} : vector<1024x4096xi32>
    %convert_element_type3A = arith.sitofp %iota3A : vector<1024x4096xi32> to vector<1024x4096xf32>
    %eq3A = vector.broadcast %broadcast_in_dim3A_19 : vector<1024x1xf32> to vector<1024x4096xf32>
    %eq3A_23 = arith.cmpf oeq, %slice3A, %eq3A : vector<1024x4096xf32>
    %jit3A = arith.constant 4.096000e+03 : f32
    %broadcast_in_dim3A_24 = vector.broadcast %jit3A : f32 to vector<1024x4096xf32>
    %select_n3A = arith.select %eq3A_23, %convert_element_type3A, %broadcast_in_dim3A_24 : vector<1024x4096xi1>, vector<1024x4096xf32>
    %reduce_min3A_25 = arith.constant dense<0x7F800000> : vector<1024xf32>
    %reduce_min3A_26 = vector.multi_reduction <minimumf>, %select_n3A, %reduce_min3A_25 [1] : vector<1024x4096xf32> to vector<1024xf32>
    %eq3A_27 = vector.broadcast %broadcast_in_dim3A_22 : vector<1024x1xf32> to vector<1024x4096xf32>
    %eq3A_28 = arith.cmpf oeq, %slice3A_17, %eq3A_27 : vector<1024x4096xf32>
    %jit3A_29 = arith.constant 4.096000e+03 : f32
    %broadcast_in_dim3A_30 = vector.broadcast %jit3A_29 : f32 to vector<1024x4096xf32>
    %select_n3A_31 = arith.select %eq3A_28, %convert_element_type3A, %broadcast_in_dim3A_30 : vector<1024x4096xi1>, vector<1024x4096xf32>
    %reduce_min3A_32 = arith.constant dense<0x7F800000> : vector<1024xf32>
    %reduce_min3A_33 = vector.multi_reduction <minimumf>, %select_n3A_31, %reduce_min3A_32 [1] : vector<1024x4096xf32> to vector<1024xf32>
    %add3A_34 = arith.constant 4.096000e+03 : f32
    %add3A_35 = vector.broadcast %add3A_34 : f32 to vector<1024xf32>
    %add3A_36 = arith.addf %reduce_min3A_33, %add3A_35 : vector<1024xf32>
    %convert_element_type3A_37 = arith.truncf %broadcast_in_dim3A_19 : vector<1024x1xf32> to vector<1024x1xbf16>
    %convert_element_type3A_38 = arith.extf %convert_element_type3A_37 : vector<1024x1xbf16> to vector<1024x1xf32>
    %lt3A = arith.cmpf olt, %broadcast_in_dim3A_22, %convert_element_type3A_38 : vector<1024x1xf32>
    %squeeze3A = vector.shape_cast %lt3A : vector<1024x1xi1> to vector<1024xi1>
    %select_n3A_39 = arith.select %squeeze3A, %add3A_36, %reduce_min3A_26 : vector<1024xi1>, vector<1024xf32>
    %convert_element_type3A_40 = arith.fptosi %select_n3A_39 : vector<1024xf32> to vector<1024xi32>
    %select_n3A_41 = arith.select %lt3A, %broadcast_in_dim3A_22, %broadcast_in_dim3A_19 : vector<1024x1xi1>, vector<1024x1xf32>
    %swap3A = arith.constant 0 : index
    %swap3A_42 = arith.constant 0 : index
    %swap3A_43 = arith.constant 0 : index
    %swap3A_44 = vector.load %arg3[%swap3A, %swap3A_42, %swap3A_43] : memref<1x1x1024xi32, #tpu.memory_space<vmem>>, vector<1x1x1024xi32>
    %swap3A_45 = vector.shape_cast %swap3A_44 : vector<1x1x1024xi32> to vector<1024xi32>
    %swap3A_46 = vector.shape_cast %convert_element_type3A_40 : vector<1024xi32> to vector<1x1x1024xi32>
    tpu.vector_store %arg3[%swap3A, %swap3A_42, %swap3A_43], %swap3A_46 {strides = array<i32>} : memref<1x1x1024xi32, #tpu.memory_space<vmem>>, vector<1x1x1024xi32>,
    %reduce_sum3A_47 = vector.shape_cast %select_n3A_41 : vector<1024x1xf32> to vector<1x1024x1xf32>
    %reduce_sum3A_48 = arith.constant dense<0.000000e+00> : vector<1xf32>
    %reduce_sum3A_49 = vector.multi_reduction <add>, %reduce_sum3A_47, %reduce_sum3A_48 [1, 2] : vector<1x1024x1xf32> to vector<1xf32>
    %reduce_sum3A_50 = vector.shape_cast %reduce_sum3A_49 : vector<1xf32> to vector<1x1x1xf32>
    %reduce_sum3A_51 = vector.extract %reduce_sum3A_50[0, 0, 0] : f32 from vector<1x1x1xf32>
    %broadcast_in_dim3A_52 = vector.shape_cast %convert_element_type3A_40 : vector<1024xi32> to vector<1024x1xi32>
    %jit3A_53 = arith.constant 128 : i32
    %div3A = vector.broadcast %jit3A_53 : i32 to vector<1024x1xi32>
    %div3A_54 = arith.divsi %broadcast_in_dim3A_52, %div3A : vector<1024x1xi32>
    %sign3A = arith.constant 0 : i32
    %sign3A_55 = vector.broadcast %sign3A : i32 to vector<1024x1xi32>
    %sign3A_56 = arith.cmpi sgt, %broadcast_in_dim3A_52, %sign3A_55 : vector<1024x1xi32>
    %sign3A_57 = arith.extui %sign3A_56 : vector<1024x1xi1> to vector<1024x1xi32>
    %sign3A_58 = arith.constant 0 : i32
    %sign3A_59 = vector.broadcast %sign3A_58 : i32 to vector<1024x1xi32>
    %sign3A_60 = arith.cmpi slt, %broadcast_in_dim3A_52, %sign3A_59 : vector<1024x1xi32>
    %sign3A_61 = arith.extui %sign3A_60 : vector<1024x1xi1> to vector<1024x1xi32>
    %sign3A_62 = arith.subi %sign3A_57, %sign3A_61 : vector<1024x1xi32>
    %sign3A_63 = arith.constant 0 : i32
    %sign3A_64 = arith.cmpi sgt, %jit3A_53, %sign3A_63 : i32
    %sign3A_65 = arith.extui %sign3A_64 : i1 to i32
    %sign3A_66 = arith.constant 0 : i32
    %sign3A_67 = arith.cmpi slt, %jit3A_53, %sign3A_66 : i32
    %sign3A_68 = arith.extui %sign3A_67 : i1 to i32
    %sign3A_69 = arith.subi %sign3A_65, %sign3A_68 : i32
    %ne3A = vector.broadcast %sign3A_69 : i32 to vector<1024x1xi32>
    %ne3A_70 = arith.cmpi ne, %sign3A_62, %ne3A : vector<1024x1xi32>
    %rem3A = vector.broadcast %jit3A_53 : i32 to vector<1024x1xi32>
    %rem3A_71 = arith.remsi %broadcast_in_dim3A_52, %rem3A : vector<1024x1xi32>
    %ne3A_72 = arith.constant 0 : i32
    %ne3A_73 = vector.broadcast %ne3A_72 : i32 to vector<1024x1xi32>
    %ne3A_74 = arith.cmpi ne, %rem3A_71, %ne3A_73 : vector<1024x1xi32>
    %and3A = arith.andi %ne3A_70, %ne3A_74 : vector<1024x1xi1>
    %sub3A = arith.constant 1 : i32
    %sub3A_75 = vector.broadcast %sub3A : i32 to vector<1024x1xi32>
    %sub3A_76 = arith.subi %div3A_54, %sub3A_75 : vector<1024x1xi32>
    %select_n3A_77 = arith.select %and3A, %sub3A_76, %div3A_54 : vector<1024x1xi1>, vector<1024x1xi32>
    %broadcast_in_dim3A_78 = vector.shape_cast %convert_element_type3A_40 : vector<1024xi32> to vector<1024x1xi32>
    %jit3A_79 = arith.constant 128 : i32
    %eq3A_80 = arith.constant 0 : i32
    %eq3A_81 = arith.cmpi eq, %jit3A_79, %eq3A_80 : i32
    %jit3A_82 = arith.constant 1 : i32
    %select_n3A_83 = arith.select %eq3A_81, %jit3A_82, %jit3A_79 : i32
    %rem3A_84 = vector.broadcast %select_n3A_83 : i32 to vector<1024x1xi32>
    %rem3A_85 = arith.remsi %broadcast_in_dim3A_78, %rem3A_84 : vector<1024x1xi32>
    %ne3A_86 = arith.constant 0 : i32
    %ne3A_87 = vector.broadcast %ne3A_86 : i32 to vector<1024x1xi32>
    %ne3A_88 = arith.cmpi ne, %rem3A_85, %ne3A_87 : vector<1024x1xi32>
    %lt3A_89 = arith.constant 0 : i32
    %lt3A_90 = vector.broadcast %lt3A_89 : i32 to vector<1024x1xi32>
    %lt3A_91 = arith.cmpi slt, %rem3A_85, %lt3A_90 : vector<1024x1xi32>
    %lt3A_92 = arith.constant 0 : i32
    %lt3A_93 = arith.cmpi slt, %select_n3A_83, %lt3A_92 : i32
    %ne3A_94 = vector.broadcast %lt3A_93 : i1 to vector<1024x1xi1>
    %ne3A_95 = vector.broadcast %ne3A_94 : vector<1024x1xi1> to vector<1024x1xi1>
    %ne3A_96 = arith.xori %lt3A_91, %ne3A_95 : vector<1024x1xi1>
    %and3A_97 = arith.andi %ne3A_96, %ne3A_88 : vector<1024x1xi1>
    %add3A_98 = vector.broadcast %select_n3A_83 : i32 to vector<1024x1xi32>
    %add3A_99 = arith.addi %rem3A_85, %add3A_98 : vector<1024x1xi32>
    %select_n3A_100 = arith.select %and3A_97, %add3A_99, %rem3A_85 : vector<1024x1xi1>, vector<1024x1xi32>
    %iota3A_101 = tpu.iota {dimensions = array<i32: 1>} : vector<1024x64xi32>
    %eq3A_102 = vector.broadcast %select_n3A_77 : vector<1024x1xi32> to vector<1024x64xi32>
    %eq3A_103 = arith.cmpi eq, %iota3A_101, %eq3A_102 : vector<1024x64xi32>
    %convert_element_type3A_104 = arith.extui %eq3A_103 : vector<1024x64xi1> to vector<1024x64xi32>
    %convert_element_type3A_105 = arith.sitofp %convert_element_type3A_104 : vector<1024x64xi32> to vector<1024x64xf32>
    %iota3A_106 = tpu.iota {dimensions = array<i32: 1>} : vector<1024x128xi32>
    %eq3A_107 = vector.broadcast %select_n3A_100 : vector<1024x1xi32> to vector<1024x128xi32>
    %eq3A_108 = arith.cmpi eq, %iota3A_106, %eq3A_107 : vector<1024x128xi32>
    %convert_element_type3A_109 = arith.extui %eq3A_108 : vector<1024x128xi1> to vector<1024x128xi32>
    %convert_element_type3A_110 = arith.sitofp %convert_element_type3A_109 : vector<1024x128xi32> to vector<1024x128xf32>
    %dot_general3A_111 = arith.constant dense<0.000000e+00> : vector<64x128xf32>
    %dot_general3A_112 = tpu.matmul %convert_element_type3A_105, %convert_element_type3A_110, %dot_general3A_111 {dimension_numbers = #tpu.dot_dimension_numbers<[0], [0], [1], [1], [0, 1, 1, 1], [], []>, transpose_lhs_hint = false} : vector<1024x64xf32>, vector<1024x128xf32>, vector<64x128xf32> -> vector<64x128xf32>
    %eq3A_113 = arith.constant 0 : i32
    %eq3A_114 = arith.cmpi eq, %arg0, %eq3A_113 : i32
    %convert_element_type3A_115 = arith.extui %eq3A_114 : i1 to i32
    %cond3A = arith.constant 0 : i32
    %cond3A_116 = arith.cmpi ne, %convert_element_type3A_115, %cond3A : i32
    scf.if %cond3A_116 {
      %broadcast_in_dim3A_137 = arith.constant 0.000000e+00 : f32
      %broadcast_in_dim3A_138 = vector.broadcast %broadcast_in_dim3A_137 : f32 to vector<1x128xf32>
      %swap3A_139 = arith.constant 0 : index
      %swap3A_140 = arith.constant 0 : index
      %swap3A_141 = vector.load %arg7[%swap3A_139, %swap3A_140] : memref<1x128xf32, #tpu.memory_space<vmem>>, vector<1x128xf32>
      tpu.vector_store %arg7[%swap3A_139, %swap3A_140], %broadcast_in_dim3A_138 {strides = array<i32>} : memref<1x128xf32, #tpu.memory_space<vmem>>, vector<1x128xf32>,
      %broadcast_in_dim3A_142 = arith.constant 0.000000e+00 : f32
      %broadcast_in_dim3A_143 = vector.broadcast %broadcast_in_dim3A_142 : f32 to vector<64x128xf32>
      %swap3A_144 = arith.constant 0 : index
      %swap3A_145 = arith.constant 0 : index
      %swap3A_146 = vector.load %arg8[%swap3A_144, %swap3A_145] : memref<64x128xf32, #tpu.memory_space<vmem>>, vector<64x128xf32>
      tpu.vector_store %arg8[%swap3A_144, %swap3A_145], %broadcast_in_dim3A_143 {strides = array<i32>} : memref<64x128xf32, #tpu.memory_space<vmem>>, vector<64x128xf32>,
    } else {
    }
    %get3A_117 = arith.constant 0 : index
    %get3A_118 = arith.constant 0 : index
    %get3A_119 = vector.load %arg7[%get3A_117, %get3A_118] : memref<1x128xf32, #tpu.memory_space<vmem>>, vector<1x128xf32>
    %add3A_120 = vector.broadcast %reduce_sum3A_51 : f32 to vector<1x128xf32>
    %add3A_121 = arith.addf %get3A_119, %add3A_120 : vector<1x128xf32>
    %swap3A_122 = arith.constant 0 : index
    %swap3A_123 = arith.constant 0 : index
    %swap3A_124 = vector.load %arg7[%swap3A_122, %swap3A_123] : memref<1x128xf32, #tpu.memory_space<vmem>>, vector<1x128xf32>
    tpu.vector_store %arg7[%swap3A_122, %swap3A_123], %add3A_121 {strides = array<i32>} : memref<1x128xf32, #tpu.memory_space<vmem>>, vector<1x128xf32>,
    %get3A_125 = arith.constant 0 : index
    %get3A_126 = arith.constant 0 : index
    %get3A_127 = vector.load %arg8[%get3A_125, %get3A_126] : memref<64x128xf32, #tpu.memory_space<vmem>>, vector<64x128xf32>
    %add3A_128 = arith.addf %get3A_127, %dot_general3A_112 : vector<64x128xf32>
    %swap3A_129 = arith.constant 0 : index
    %swap3A_130 = arith.constant 0 : index
    %swap3A_131 = vector.load %arg8[%swap3A_129, %swap3A_130] : memref<64x128xf32, #tpu.memory_space<vmem>>, vector<64x128xf32>
    tpu.vector_store %arg8[%swap3A_129, %swap3A_130], %add3A_128 {strides = array<i32>} : memref<64x128xf32, #tpu.memory_space<vmem>>, vector<64x128xf32>,
    %eq3A_132 = arith.constant 63 : i32
    %eq3A_133 = arith.cmpi eq, %arg0, %eq3A_132 : i32
    %convert_element_type3A_134 = arith.extui %eq3A_133 : i1 to i32
    %cond3A_135 = arith.constant 0 : i32
    %cond3A_136 = arith.cmpi ne, %convert_element_type3A_134, %cond3A_135 : i32
    scf.if %cond3A_136 {
      %get3A_137 = arith.constant 0 : index
      %get3A_138 = arith.constant 0 : index
      %get3A_139 = vector.load %arg8[%get3A_137, %get3A_138] : memref<64x128xf32, #tpu.memory_space<vmem>>, vector<64x128xf32>
      %mul3A_140 = arith.constant 1.52587891E-5 : f32
      %mul3A_141 = vector.broadcast %mul3A_140 : f32 to vector<64x128xf32>
      %mul3A_142 = arith.mulf %get3A_139, %mul3A_141 : vector<64x128xf32>
      %add3A_143 = arith.constant 1.000000e-10 : f32
      %add3A_144 = vector.broadcast %add3A_143 : f32 to vector<64x128xf32>
      %add3A_145 = arith.addf %mul3A_142, %add3A_144 : vector<64x128xf32>
      %log3A = math.log %add3A_145 : vector<64x128xf32>
      %mul3A_146 = arith.mulf %mul3A_142, %log3A : vector<64x128xf32>
      %reduce_sum3A_147 = vector.shape_cast %mul3A_146 : vector<64x128xf32> to vector<1x64x128xf32>
      %reduce_sum3A_148 = arith.constant dense<0.000000e+00> : vector<1xf32>
      %reduce_sum3A_149 = vector.multi_reduction <add>, %reduce_sum3A_147, %reduce_sum3A_148 [1, 2] : vector<1x64x128xf32> to vector<1xf32>
      %reduce_sum3A_150 = vector.shape_cast %reduce_sum3A_149 : vector<1xf32> to vector<1x1x1xf32>
      %reduce_sum3A_151 = vector.extract %reduce_sum3A_150[0, 0, 0] : f32 from vector<1x1x1xf32>
      %neg3A = arith.constant 0.000000e+00 : f32
      %neg3A_152 = arith.subf %neg3A, %reduce_sum3A_151 : f32
      %exp3A = math.exp %neg3A_152 : f32
      %swap3A_153 = arith.constant 0 : index
      %swap3A_154 = arith.constant 0 : index
      %swap3A_155 = memref.load %arg6[%swap3A_153, %swap3A_154] : memref<1x1xf32, #tpu.memory_space<smem>>
      memref.store %exp3A, %arg6[%swap3A_153, %swap3A_154] : memref<1x1xf32, #tpu.memory_space<smem>>
      %get3A_156 = arith.constant 0 : index
      %get3A_157 = arith.constant 0 : index
      %get3A_158 = vector.load %arg7[%get3A_156, %get3A_157] : memref<1x128xf32, #tpu.memory_space<vmem>>, vector<1x1xf32>
      %get3A_159 = vector.extract %get3A_158[0, 0] : f32 from vector<1x1xf32>
      %mul3A_160 = arith.constant 4.76837158E-7 : f32
      %mul3A_161 = arith.mulf %get3A_159, %mul3A_160 : f32
      %swap3A_162 = arith.constant 0 : index
      %swap3A_163 = arith.constant 0 : index
      %swap3A_164 = memref.load %arg4[%swap3A_162, %swap3A_163] : memref<1x1xf32, #tpu.memory_space<smem>>
      memref.store %mul3A_161, %arg4[%swap3A_162, %swap3A_163] : memref<1x1xf32, #tpu.memory_space<smem>>
      %mul3A_165 = arith.constant 2.500000e-01 : f32
      %mul3A_166 = arith.mulf %mul3A_165, %mul3A_161 : f32
      %swap3A_167 = arith.constant 0 : index
      %swap3A_168 = arith.constant 0 : index
      %swap3A_169 = memref.load %arg5[%swap3A_167, %swap3A_168] : memref<1x1xf32, #tpu.memory_space<smem>>
      memref.store %mul3A_166, %arg5[%swap3A_167, %swap3A_168] : memref<1x1xf32, #tpu.memory_space<smem>>
    } else {
    }
    return
  }
  func.func @transform_0(%arg0: i32) -> (i32, i32) {
    %c0_i32 = arith.constant 0 : i32
    %c0_i32_0 = arith.constant 0 : i32
    return %arg0, %c0_i32 : i32, i32
  }
  func.func @transform_1(%arg0: i32) -> (i32, i32) {
    %c0_i32 = arith.constant 0 : i32
    %c0_i32_0 = arith.constant 0 : i32
    %c0_i32_1 = arith.constant 0 : i32
    return %c0_i32, %c0_i32_0 : i32, i32
  }
  func.func @transform_2(%arg0: i32) -> (i32, i32, i32) {
    %c0_i32 = arith.constant 0 : i32
    %c0_i32_0 = arith.constant 0 : i32
    %c0_i32_1 = arith.constant 0 : i32
    return %arg0, %c0_i32, %c0_i32_0 : i32, i32, i32
  }
  func.func @transform_3(%arg0: i32) -> (i32, i32) {
    %c0_i32 = arith.constant 0 : i32
    %c0_i32_0 = arith.constant 0 : i32
    %c0_i32_1 = arith.constant 0 : i32
    return %c0_i32, %c0_i32_0 : i32, i32
  }
  func.func @transform_4(%arg0: i32) -> (i32, i32) {
    %c0_i32 = arith.constant 0 : i32
    %c0_i32_0 = arith.constant 0 : i32
    %c0_i32_1 = arith.constant 0 : i32
    return %c0_i32, %c0_i32_0 : i32, i32
  }
  func.func @transform_5(%arg0: i32) -> (i32, i32) {
    %c0_i32 = arith.constant 0 : i32
    %c0_i32_0 = arith.constant 0 : i32
    %c0_i32_1 = arith.constant 0 : i32
    return %c0_i32, %c0_i32_0 : i32, i32
  }
}

</mosaic_0001>

<sc_bundles>
// kernel: kernel.4.cloned.1.call-start
scs
__scs_entry_jumppad:
0x0: {  	(pc) =	sbr.rel $0x88, $3  }
0x1: {  	(tag) =	ssettag $0x0;
	lr =	simm.s32 $0x1  }
0x2: {  	[smem:$0x3F9F] =	sst lr;
	_ =	strace $0xD0000000  }
0x3: {  	_ = 	snop  }
0x4: {  	_ = 	snop  }
0x5: {  	_ = 	snop  }
0x6: {  	_ = 	snop  }
0x7: {  	_ = 	snop  }
__scs_overlays_trampoline_lowered:
0x8: {  	[smem:$0x3FAE] =	sst s0  }
0x9: {  	[smem:$0x3FAF] =	sst s1  }
0xa: {  	[smem:$0x3FB0] =	sst s2  }
0xb: {  	[smem:$0x3FB1] =	sst s3  }
0xc: {  	[smem:$0x3FB2] =	sst s4  }
0xd: {  	[smem:$0x3FB3] =	sst s5  }
0xe: {  	[smem:$0x3FB4] =	sst s6  }
0xf: {  	[smem:$0x3FB5] =	sst s7  }
0x10: {  	[smem:$0x3FB6] =	sst s8  }
0x11: {  	[smem:$0x3FB7] =	sst s9;
	s0 =	simm.s32 @!p0 $0x0  }
0x12: {  	s1 =	sld [smem:$0x3F9D];
	s0 =	simm.s32 @p0 $0x1  }
0x13: {  	[smem:$0x3FB8] =	sst s0;
	s0 =	simm.s32 @!p1 $0x0  }
0x14: {  	s2 =	sld [smem:$0x3F9C];
	s0 =	simm.s32 @p1 $0x1  }
0x15: {  	[smem:$0x3FB9] =	sst s0;
	s0 =	simm.s32 @!p2 $0x0  }
0x16: {  	s3 =	sld [smem:$0x3FDB];
	s0 =	simm.s32 @p2 $0x1  }
0x17: {  	s4 =	simm.s32 $0x1BF5;
	[smem:$0x3FBB] =	sst s0  }
0x18: {  	s0 =	sld [smem:$0x3F9E];
	_ =	swait.ge [sflag:s4], $0x0  }
0x19: {  	s7 =	sld [smem:$0x3F9F]  }
0x1a: {  	s8 =	sadd.s32 $0xFFFFE003, lr  }
0x1b: {  	s9 =	sadd.s32 $0xFFFFFEF7, lr;
	s5 =	simm.s32 $0xFFFFFFFF;
	p2 =	slt.u32 s8, $0xFFFFF086  }
0x1c: {  	p1 =	slt.u32 s9, $0xF7A;
	s5 =	simm.s32 @!p2 $0x0  }
0x1d: {  	s5 =	simm.s32 @p1 $0x1;
	p0 =	seq.s32 s7, s2  }
0x1e: {  	s7 =	smul.u32 @!p0 $0xF7A, s2;
	p2 =	seq.s32 @!p0 s5, $0x0  }
0x1f: {  	s9 =	smul.u32 $0xF7A, s1;
	s8 =	simm.s32 @!p0 $0x1BF5;
	p2 =	por !p2, p0  }
0x20: {  	[sflag:s8] =	ssyncset.s32 @!p0 $0xFFFFF086;
	s6 =	sadd.s32 @!p0 s3, s7;
	s7 =	simm.s32 @!p0 $0x108  }
0x21: {  	s3 =	sadd.s32 s3, s9;
	s6 =	sadd.s32 @!p0 $0x88, s6;
	s7 =	simm.s32 @p2 $0x1082  }
0x22: {  	[simem:s7], [sflag:s8] =	dma.local @!p0 [hbm:s6], $0xF7A  }
0x23: {  	s9 =	sor.u32 $0xD0000000, s2;
	s6 =	simm.s32 $0x108;
	_ =	swait.ge @!p0 [sflag:s8], $0x0  }
0x24: {  	s3 =	sadd.s32 $0x88, s3;
	s6 =	simm.s32 @!p1 $0x1082;
	[sflag:s4] =	ssyncset.s32 $0xFFFFF086  }
0x25: {  	[simem:s6], [sflag:s4] =	dma.local [hbm:s3], $0xF7A  }
0x26: {  	[smem:$0x3F9F] =	sst s1;
	(tag) =	ssettag s2;
	_ =	strace s9  }
0x27: {  	s1 =	sld [smem:$0x3FAF]  }
0x28: {  	s2 =	sld [smem:$0x3FB0]  }
0x29: {  	s4 =	sld [smem:$0x3FB2]  }
0x2a: {  	p0 =	seq.s32 s5, $0x0;
	s5 =	sld [smem:$0x3FB3]  }
0x2b: {  	s6 =	sld [smem:$0x3FB4]  }
0x2c: {  	s7 =	sld [smem:$0x3FB5]  }
0x2d: {  	s3 =	simm.s32 $0x108;
	s8 =	sld [smem:$0x3FB6]  }
0x2e: {  	s3 =	simm.s32 @!p0 $0x1082;
	s9 =	sld [smem:$0x3FB7]  }
0x2f: {  	lr =	sadd.s32 s0, s3;
	s0 =	sld [smem:$0x3FAE]  }
0x30: {  	s3 =	sld [smem:$0x3FB1]  }
0x31: {  	[smem:$0x3FBA] =	sst s10  }
0x32: {  	s10 =	sld [smem:$0x3FB8];
	_ =	sdelay $0x3  }
0x33: {  	p0 =	seq.s32 s10, $0x1;
	s10 =	sld [smem:$0x3FBA];
	_ =	sdelay $0x3  }
0x34: {  	[smem:$0x3FBA] =	sst s10  }
0x35: {  	s10 =	sld [smem:$0x3FB9];
	_ =	sdelay $0x3  }
0x36: {  	p1 =	seq.s32 s10, $0x1;
	s10 =	sld [smem:$0x3FBA];
	_ =	sdelay $0x3  }
0x37: {  	[smem:$0x3FBA] =	sst s10  }
0x38: {  	s10 =	sld [smem:$0x3FBB]  }
0x39: {  	_ = 	snop;
	(pc) =	sbr.ind lr, $3  }
0x3a: {  	_ = 	snop  }
0x3b: {  	_ = 	snop  }
0x3c: {  	p2 =	seq.s32 s10, $0x1;
	s10 =	sld [smem:$0x3FBA]  }
0x3d: {  	_ =	shalt  }
0x3e: {  	_ =	shalt  }
0x3f: {  	_ =	shalt  }
0x40: {  	_ =	shalt  }
0x41: {  	_ =	shalt  }
0x42: {  	_ =	shalt  }
0x43: {  	_ =	shalt  }
0x44: {  	_ =	shalt  }
0x45: {  	_ =	shalt  }
0x46: {  	_ =	shalt  }
0x47: {  	_ =	shalt  }
0x48: {  	_ =	shalt  }
0x49: {  	_ =	shalt  }
0x4a: {  	_ =	shalt  }
0x4b: {  	_ =	shalt  }
0x4c: {  	_ =	shalt  }
0x4d: {  	_ =	shalt  }
0x4e: {  	_ =	shalt  }
0x4f: {  	_ =	shalt  }
0x50: {  	_ =	shalt  }
0x51: {  	_ =	shalt  }
0x52: {  	_ =	shalt  }
0x53: {  	_ =	shalt  }
0x54: {  	_ =	shalt  }
0x55: {  	_ =	shalt  }
0x56: {  	_ =	shalt  }
0x57: {  	_ =	shalt  }
0x58: {  	_ =	shalt  }
0x59: {  	_ =	shalt  }
0x5a: {  	_ =	shalt  }
0x5b: {  	_ =	shalt  }
0x5c: {  	_ =	shalt  }
0x5d: {  	_ =	shalt  }
0x5e: {  	_ =	shalt  }
0x5f: {  	_ =	shalt  }
0x60: {  	_ =	shalt  }
0x61: {  	_ =	shalt  }
0x62: {  	_ =	shalt  }
0x63: {  	_ =	shalt  }
0x64: {  	_ =	shalt  }
0x65: {  	_ =	shalt  }
0x66: {  	_ =	shalt  }
0x67: {  	_ =	shalt  }
0x68: {  	_ =	shalt  }
0x69: {  	_ =	shalt  }
0x6a: {  	_ =	shalt  }
0x6b: {  	_ =	shalt  }
0x6c: {  	_ =	shalt  }
0x6d: {  	_ =	shalt  }
0x6e: {  	_ =	shalt  }
0x6f: {  	_ =	shalt  }
0x70: {  	_ =	shalt  }
0x71: {  	_ =	shalt  }
0x72: {  	_ =	shalt  }
0x73: {  	_ =	shalt  }
0x74: {  	_ =	shalt  }
0x75: {  	_ =	shalt  }
0x76: {  	_ =	shalt  }
0x77: {  	_ =	shalt  }
0x78: {  	_ =	shalt  }
0x79: {  	_ =	shalt  }
0x7a: {  	_ =	shalt  }
0x7b: {  	_ =	shalt  }
0x7c: {  	_ =	shalt  }
0x7d: {  	_ =	shalt  }
0x7e: {  	_ =	shalt  }
0x7f: {  	_ =	shalt  }
0x80: {  	_ =	shalt  }
0x81: {  	_ =	shalt  }
0x82: {  	_ =	shalt  }
0x83: {  	_ =	shalt  }
0x84: {  	_ =	shalt  }
0x85: {  	_ =	shalt  }
0x86: {  	_ =	shalt  }
0x87: {  	_ =	shalt  }
.Lfunc_end0:
.L_simem_size_0:
called_computation_lowered:
.L_overlay_start_0:
0x88: {  	s2 =	sld [smem:$0x3FD9]  }
0x89: {  	s3 =	sld [smem:$0x3FFE];
	_ =	sdelay $0x1  }
0x8a: {  	s1 =	srdreg.scid  }
0x8b: {  	s0 =	sand.u32 $0x1, s1  }
0x8c: {  	s14 =	sshll.u32 s0, $0xA;
	s2 =	sadd.s32 s3, s2  }
0x8d: {  	s2 =	sadd.s32 s2, s14  }
0x8e: {  	[smem:$0x3FC6] =	sst s2  }
0x8f: {  	_ = 	snop  }
0x90: {  	s2 =	sld [smem:$0x3FD0];
	_ =	sdelay $0x2  }
0x91: {  	s15 =	simm.s32 $0xA;
	s4 =	simm.s32 $0x10  }
0x92: {  	[smem:s4], [sflag:s15] =	dma.local [hbm:s2], $0x1  }
0x93: {  	_ =	swait.eq [sflag:s15], $0x1  }
0x94: {  	[sflag:s15] =	ssyncset.done $0x0  }
0x95: {  	s16 =	sld [smem:$0x10];
	[sflag:s15] =	ssyncadd.s32 $0xFFFFFFFF  }
0x96: {  	s17 =	sld [smem:$0x11];
	(tm) =	ssettm $0x1  }
0x97: {  	s18 =	sld [smem:$0x3FFB];
	_ =	sdelay $0x3  }
0x98: {  	_ =	strace s18  }
0x99: {  	s4 =	sld [smem:$0x3FFC];
	_ =	sdelay $0x3  }
0x9a: {  	_ =	strace s4  }
0x9b: {  	s4 =	sld [smem:$0x3FFD];
	_ =	sdelay $0x3  }
0x9c: {  	_ =	strace s4  }
0x9d: {  	_ =	strace $0x8FFFFFFF  }
0x9e: {  	s19 =	sld [smem:$0x3FDB];
	_ =	sdelay $0x1  }
0x9f: {  	s5 =	simm.s32 $_scs_section_size  }
0xa0: {  	s6 =	simm.s32 $_size__tile_overlayer_lowered;
	s7 =	simm.s32 $_tile_overlayer_lowered  }
0xa1: {  	s22 =	simm.s32 $0x1BFF;
	s21 =	sshll.u32 s7, $0x1;
	s4 =	sadd.s32 s5, s19  }
0xa2: {  	s8 =	simm.s32 $0x0;
	s20 =	sshll.u32 s6, $0x1;
	s6 =	sadd.s32 s21, s4  }
0xa3: {  	[timem:s8], [sflag:s22] =	dma.local [hbm:s6], s20  }
0xa4: {  	_ =	swait.ge [sflag:s22], s20  }
0xa5: {  	s5 =	ssub.s32 $0x0, s20;
	[sflag:s22] =	ssyncset.done $0x0  }
0xa6: {  	[sflag:s22] =	ssyncadd.s32 s5;
	_ =	sdelay $0x1  }
0xa7: {  	s23 =	simm.s32 $0x1B8B  }
0xa8: {  	_ =	swait.ge [sflag:s23], $0x1  }
0xa9: {  	[sflag:s23] =	ssyncset.done $0x0  }
0xaa: {  	s25 =	simm.s32 $0x1B8E;
	s24 =	sld [smem:$0x3FFE];
	[sflag:s23] =	ssyncadd.s32 $0xFFFFFFFF  }
0xab: {  	s26 =	simm.s32 $execute0_lowered;
	[smem:$0x3FD2] =	sst s25  }
0xac: {  	s6 =	sshll.u32 s26, $0x1;
	_ =	strace $0x80000046;
	[dreg:$0x1] =	wrdreg $0xFFFFFFFF  }
0xad: {  	s28 =	simm.s32 $_size_execute0_lowered;
	s4 =	sadd.s32 s4, s6;
	[dreg:$0x0] =	wrdreg $0x0  }
0xae: {  	s6 =	sshll.u32 s28, $0x1;
	[dreg:$0x2] =	wrdreg s4  }
0xaf: {  	[dreg:$0x3] =	wrdreg s6  }
0xb0: {  	[dreg:$0x4] =	wrdreg $0xC0  }
0xb1: {  	_ =	task [dreg:s8], $0x5FFFF  }
0xb2: {  	[dreg:$0x1] =	wrdreg $0xFFFFFFFF  }
0xb3: {  	[dreg:$0x0] =	wrdreg $0x60  }
0xb4: {  	[dreg:$0x2] =	wrdreg s17  }
0xb5: {  	[dreg:$0x3] =	wrdreg s24  }
0xb6: {  	[dreg:$0x4] =	wrdreg s16  }
0xb7: {  	[dreg:$0x5] =	wrdreg $0x9  }
0xb8: {  	_ =	task.clear_ibuf [dreg:s8], $0x6FFFF;
	_ =	strace $0x90000046  }
0xb9: {  	s29 =	simm.s32 $0x9;
	_ =	strace $0x80000048  }
0xba: {  	_ =	swait.ge [sflag:s29], $0x1  }
0xbb: {  	[sflag:s29] =	ssyncadd.s32 $0xFFFFFFFF  }
0xbc: {  	_ =	strace $0x90000048  }
0xbd: {  	_ =	sfence  }
0xbe: {  	s30 =	sld [smem:$0x0];
	_ =	sdelay $0x2  }
0xbf: {  	s31 =	sshll.u32 s1, $0xD;
	s1 =	sshrl.u32 s1, $0x2  }
0xc0: {  	s3 =	sand.u32 $0x4000, s31;
	s1 =	sadd.s32 s1, s30  }
0xc1: {  	s0 =	sor.u32 s3, s0;
	s1 =	sshll.u32 s1, $0x11  }
0xc2: {  	s0 =	sor.u32 s1, s0  }
0xc3: {  	s0 =	sadd.s32 $0x8F2B, s0  }
0xc4: {  	[sflag:s0] =	ssyncadd.remote.s32 $0x1  }
0xc5: {  	_ =	sfence.sel $0xFFFF  }
0xc6: {  	[dreg:$0x0] =	wrdreg $0xFFFFFFFF;
	(pc) =	sbr.abs _section_cstart, $3  }
0xc7: {  	[dreg:$0x1] =	wrdreg $0xFFFFFFFF  }
0xc8: {  	_ =	task.clear_ibuf [dreg:s8], $0x2FFFF;
	_ =	strace $0x9FFFFFFF  }
0xc9: {  	(tm) =	ssettm $0x7FFFFFFF  }
tec
execute0_lowered:
.L_overlay_start_1:
0x0: {  	(tag) =	ssettag $0x1  }
0x1: {  	s3 =	rddreg [dreg:$0x0]  }
0x2: {  	s1 =	srdreg.scid;
	s5 =	rddreg [dreg:$0x1]  }
0x3: {  	s0 =	stileid.u32;
	s8 =	rddreg [dreg:$0x2];
	s6 =	sand.u32 $0x1, s1  }
0x4: {  	s2 =	simm.s32 $0x0;
	s4 =	sshll.u32 s0, $0xC;
	s7 =	sshll.u32 s6, $0xB  }
0x5: {  	[smem:$0x7FF] =	sst s2;
	s9 =	sor.u32 s7, s4  }
0x6: {  	s1 =	rddreg [dreg:$0x3];
	_ =	strace $0x80000047;
	s4 =	sshrl.u32 s9, $0x3  }
0x7: {  	s10 =	ssub.s32 $0x2, s6;
	s4 =	sadd.s32 s3, s4;
	s3 =	simm.s32 $0x2  }
0x8: {  	[tilespmem:s2], [sflag:$0x2] =	stream.linear.gather [hbm4b:s4+s2], $0x800, $0x38;
	[tilespmem:$0x10800] =	vst v63  }
0x9: {  	s5 =	sadd.s32 $0xA00, s5;
	s11 =	sshrl.u32 s10, $0x1;
	_ =	swait.ge [sflag:s3], $0x800  }
0xa: {  	s6 =	simm.s32 $0x800;
	s10 =	ssub.s32 s10, s11;
	[sflag:s3] =	ssyncset.done $0x0  }
0xb: {  	s7 =	simm.s32 $0x1;
	s31 =	smax.u32 s10, $0x1;
	[sflag:s3] =	ssyncadd.s32 $0xFFFFF800  }
0xc: {  	[tilespmem:s6], [sflag:$0x1] =	stream.indirect.gather [hbm4b:s5+s6], $0x20, s2, s6, $0xb8;
	[tilespmem:$0x10800] =	vst v63  }
0xd: {  	p0 =	sne.s32 s31, $0x1;
	_ =	swait.ge [sflag:s7], $0x10000  }
.Ltmp0:
0xe: {  	s9 =	sshll.u32 s9, $0x2;
	[sflag:s7] =	ssyncset.done $0x0;
	(pc) =	sbr.rel @!p0 .LBB2_2-.Ltmp0, $4  }
0xf: {  	s8 =	sadd.s32 s8, s9;
	[sflag:s7] =	ssyncadd.s32 $0xFFFF0000  }
0x10: {  	[hbm4b:s8+s2] =	stream.linear.scatter [tilespmem:s6], [sflag:$0x2], $0x10000, $0x38;
	[tilespmem:$0x10800] =	vst v63  }
0x11: {  	_ =	swait.ge [sflag:s3], $0x10000  }
0x12: {  	s9 =	sadd.s32 $0xFFFFFFFF, s31;
	[sflag:s3] =	ssyncset.done $0x0  }
.LBB2_1:
0x13: {  	p0 =	sne.s32 s9, $0x1;
	s9 =	sadd.s32 $0xFFFFFFFF, s9;
	[sflag:s3] =	ssyncadd.s32 $0xFFFF0000  }
0x14: {  	[tilespmem:s2], [sflag:$0x2] =	stream.linear.gather [hbm4b:s4+s2], $0x800, $0x38;
	[tilespmem:$0x10800] =	vst v63  }
0x15: {  	_ =	swait.ge [sflag:s3], $0x800  }
0x16: {  	[sflag:s3] =	ssyncset.done $0x0  }
0x17: {  	[sflag:s3] =	ssyncadd.s32 $0xFFFFF800  }
0x18: {  	[tilespmem:s6], [sflag:$0x1] =	stream.indirect.gather [hbm4b:s5+s6], $0x20, s2, s6, $0xb8;
	[tilespmem:$0x10800] =	vst v63  }
0x19: {  	_ =	swait.ge [sflag:s7], $0x10000  }
.Ltmp1:
0x1a: {  	[sflag:s7] =	ssyncset.done $0x0;
	(pc) =	sbr.rel @p0 .LBB2_1-.Ltmp1, $4  }
0x1b: {  	[sflag:s7] =	ssyncadd.s32 $0xFFFF0000  }
0x1c: {  	[hbm4b:s8+s2] =	stream.linear.scatter [tilespmem:s6], [sflag:$0x2], $0x10000, $0x38;
	[tilespmem:$0x10800] =	vst v63  }
0x1d: {  	_ =	swait.ge [sflag:s3], $0x10000  }
0x1e: {  	[sflag:s3] =	ssyncset.done $0x0  }
.LBB2_2:
0x1f: {  	[sflag:s3] =	ssyncadd.s32 $0xFFFF0000  }
0x20: {  	_ =	sfence.sel $0x180000  }
0x21: {  	[bflag:$0x0] =	sbarrier.arrive $0xFFFF  }
0x22: {  	p0 =	sne.s32 s0, $0x0;
	_ =	strace $0x90000047  }
0x23: {  	s0 =	sadd.s32 @!p0 $0x100000, s1;
	[bflag:$0x2] =	sbarrier.arrive $0xFFFF  }
0x24: {  	[sflag:s0] =	ssyncadd.tile.s32 @!p0 $0x1;
	_ =	shalt  }
.Lfunc_end2:
_tile_overlayer_lowered:
.L_overlay_start_2:
0x25: {  	(tag) =	ssettag $0x2  }
0x26: {  	s0 =	rddreg [dreg:$0x0];
	s2 =	stileid.u32  }
0x27: {  	s1 =	rddreg [dreg:$0x1];
	p0 =	sne.s32 s2, $0x0  }
0x28: {  	s3 =	rddreg [dreg:$0x2];
	[bflag:$0x3] =	sbarrier.arrive $0xFFFF;
	s2 =	simm.s32 @!p0 $0x1C02  }
0x29: {  	[timem:s3], [sflag:s2] =	dma.local @!p0 [hbm:s0], s1  }
0x2a: {  	s0 =	simm.s32 @!p0 $0x2  }
0x2b: {  	_ =	swait.ge @!p0 [sflag:s0], s1  }
0x2c: {  	s1 =	ssub.s32 @!p0 $0x0, s1;
	[sflag:s0] =	ssyncset.done @!p0 $0x0  }
0x2d: {  	[sflag:s0] =	ssyncadd.s32 @!p0 s1  }
0x2e: {  	[bflag:$0x3] =	sbarrier.arrive $0xFFFF  }
0x2f: {  	_ =	shalt  }

</sc_bundles>
